<compile_context>
chip_gen: v7x
topology: tpu7x:2x2x1
jax: 0.10.2.dev20260603
libtpu: 0.0.44.dev20260713+nightly
codegen_flags: <defaults>
</compile_context>

<pallas_src>
import functools
import math

import jax
import jax.numpy as jnp
from jax import lax
from jax.experimental import pallas as pl
from jax.experimental.pallas import tpu as pltpu
from jax.experimental.pallas import tpu_sc as plsc

EMBED_DIM = 128
VOCAB = 22
SCALE = math.sqrt(float(EMBED_DIM))

NC = 2
NS = 16
NW = NC * NS
CHUNK = 128


@functools.partial(jax.jit, static_argnames=())
def _sc_embed(x3, table):
    nw, nchunks, chunk = x3.shape
    b_per_w = nchunks * chunk
    b_total = nw * b_per_w
    mesh = plsc.VectorSubcoreMesh(core_axis_name="c", subcore_axis_name="s")

    @functools.partial(
        pl.kernel,
        out_type=jax.ShapeDtypeStruct((b_total, EMBED_DIM), jnp.float32),
        mesh=mesh,
        scratch_types=[
            pltpu.VMEM((VOCAB, EMBED_DIM), jnp.float32),
            pltpu.VMEM_SHARED((VOCAB, EMBED_DIM), jnp.float32),
            pltpu.VMEM((nchunks, chunk), jnp.int32),
            pltpu.VMEM((chunk, EMBED_DIM), jnp.float32),
            pltpu.VMEM((chunk, EMBED_DIM), jnp.float32),
            pltpu.SemaphoreType.DMA,
            pltpu.SemaphoreType.DMA,
            pltpu.SemaphoreType.DMA,
            pltpu.SemaphoreType.DMA,
        ],
    )
    def k(x_hbm, table_hbm, out_hbm, table_v, table_sh, idx_v,
          buf0, buf1, gsem0, gsem1, wsem0, wsem1):
        c = lax.axis_index("c")
        s = lax.axis_index("s")
        wid = s * NC + c
        base = wid * b_per_w

        @pl.when(s == 0)
        def _():
            pltpu.sync_copy(table_hbm, table_v)

            def scale_body(j, carry):
                r = j // (EMBED_DIM // 16)
                col = (j % (EMBED_DIM // 16)) * 16
                table_v[r, pl.ds(col, 16)] = table_v[r, pl.ds(col, 16)] * SCALE
                return carry

            lax.fori_loop(0, VOCAB * (EMBED_DIM // 16), scale_body, 0)
            pltpu.sync_copy(table_v, table_sh)

        plsc.subcore_barrier()

        pltpu.sync_copy(x_hbm.at[wid], idx_v)

        def out_at(g):
            return out_hbm.at[pl.ds(base + g * chunk, chunk)]

        pltpu.async_copy(table_sh.at[idx_v.at[0]], buf0, gsem0)
        ngroups = nchunks // 2

        def body(i, carry):
            g = 2 * i
            pltpu.make_async_copy(table_sh.at[idx_v.at[g]], buf0, gsem0).wait()

            @pl.when(i > 0)
            def _():
                pltpu.make_async_copy(buf1, out_at(g - 1), wsem1).wait()

            pltpu.async_copy(table_sh.at[idx_v.at[g + 1]], buf1, gsem1)
            pltpu.async_copy(buf0, out_at(g), wsem0)
            pltpu.make_async_copy(table_sh.at[idx_v.at[g + 1]], buf1, gsem1).wait()
            pltpu.make_async_copy(buf0, out_at(g), wsem0).wait()

            @pl.when(i + 1 < ngroups)
            def _():
                pltpu.async_copy(table_sh.at[idx_v.at[g + 2]], buf0, gsem0)

            pltpu.async_copy(buf1, out_at(g + 1), wsem1)
            return carry

        lax.fori_loop(0, ngroups, body, 0)
        pltpu.make_async_copy(buf1, out_at(nchunks - 1), wsem1).wait()

    return k(x3, table)


def kernel(x, table):
    rows, cols = x.shape
    b_total = rows * cols
    b_per_w = b_total // NW
    nchunks = b_per_w // CHUNK
    x3 = x.astype(jnp.int32).reshape(NW, nchunks, CHUNK)
    out = _sc_embed(x3, table)
    return out.reshape(rows, cols, EMBED_DIM)

# --- scband reference (transcript-rebuilt; emitter-appended) ---
"""Pipeline reference for scband-aa-embedder-747324309948 (READ-ONLY COPY).

The authoritative reference and input builder live on the scoring server;
editing this copy changes nothing except your own understanding.
"""

import math
import jax, jax.numpy as jnp
import numpy as np

EMBED_DIM = 128
VOCAB = 22
PAD_IDX = 21

def setup_inputs(seed: int = 0) -> dict:
    key = jax.random.key(seed)
    k1, k2 = jax.random.split(key)
    x = jax.random.randint(k1, (2048, 512), 0, VOCAB)
    # nn.Embedding default init: N(0, 1); padding_idx row zeroed
    table = jax.random.normal(k2, (VOCAB, EMBED_DIM), dtype=jnp.float32)
    table = table.at[PAD_IDX].set(0.0)
    return {"x": x, "table": table}

def reference(x, table):
    # AaEmbedder.forward: embedding lookup scaled by sqrt(embedding_dim)
    return jnp.take(table, x, axis=0) * math.sqrt(EMBED_DIM)

if __name__ == "__main__":
    import jax
    _d = setup_inputs()
    print(jax.jit(kernel)(*tuple(_d.values())))

</pallas_src>

<mosaic_0001>
#map = affine_map<(d0, d1) -> (0, 0, 0)>
#map1 = affine_map<(d0, d1) -> (0, 0)>
module attributes {stable_mosaic.version = 14 : i64} {
  func.func @k(%arg0: i32, %arg1: i32, %arg2: memref<32x256x128xi32, #tpu.memory_space<hbm>>, %arg3: memref<22x128xf32, #tpu.memory_space<hbm>>, %arg4: memref<1048576x128xf32, #tpu.memory_space<hbm>>, %arg5: memref<22x128xf32, #tpu.memory_space<vmem>>, %arg6: memref<22x128xf32, #tpu.memory_space<vmem_shared>>, %arg7: memref<256x128xi32, #tpu.memory_space<vmem>>, %arg8: memref<128x128xf32, #tpu.memory_space<vmem>>, %arg9: memref<128x128xf32, #tpu.memory_space<vmem>>, %arg10: memref<!tpu.dma_semaphore, #tpu.memory_space<semaphore_mem>>, %arg11: memref<!tpu.dma_semaphore, #tpu.memory_space<semaphore_mem>>, %arg12: memref<!tpu.dma_semaphore, #tpu.memory_space<semaphore_mem>>, %arg13: memref<!tpu.dma_semaphore, #tpu.memory_space<semaphore_mem>>) attributes {dimension_semantics = [#tpu.dimension_semantics<core_parallel>, #tpu.dimension_semantics<subcore_parallel>], iteration_bounds = array<i64: 2, 16>, scalar_prefetch = 0 : i64, scratch_operands = 9 : i64, tpu.core_type = #tpu.core_type<sc_vector_subcore>, window_params = [{transform_indices = #map}, {transform_indices = #map1}, {transform_indices = #map1}]} {
    %mul3A = arith.constant 2 : i32
    %mul3A_0 = arith.muli %arg1, %mul3A : i32
    %add3A = arith.addi %mul3A_0, %arg0 : i32
    %mul3A_1 = arith.constant 32768 : i32
    %mul3A_2 = arith.muli %add3A, %mul3A_1 : i32
    %eq3A = arith.constant 0 : i32
    %eq3A_3 = arith.cmpi eq, %arg1, %eq3A : i32
    %convert_element_type3A = arith.extui %eq3A_3 : i1 to i32
    %cond3A = arith.constant 0 : i32
    %cond3A_4 = arith.cmpi ne, %convert_element_type3A, %cond3A : i32
    scf.if %cond3A_4 {
      "tpu.region"() ({
        %run_scoped3A = tpu.sem_alloc : memref<!tpu.dma_semaphore, #tpu.memory_space<semaphore_mem>>
        tpu.enqueue_dma source(%arg3 : memref<22x128xf32, #tpu.memory_space<hbm>>) target(%arg5 : memref<22x128xf32, #tpu.memory_space<vmem>>) target_semaphore(%run_scoped3A : memref<!tpu.dma_semaphore, #tpu.memory_space<semaphore_mem>>)
        tpu.wait_dma2 semaphore(%run_scoped3A : memref<!tpu.dma_semaphore, #tpu.memory_space<semaphore_mem>>) src(%arg3 : memref<22x128xf32, #tpu.memory_space<hbm>>) dst(%arg5 : memref<22x128xf32, #tpu.memory_space<vmem>>)
        tpu.yield
      }) : () -> ()
      %scan3A_21 = arith.constant 0 : i32
      %scan3A_22 = arith.constant 0 : i32
      %scan3A_23 = arith.constant 176 : i32
      %scan3A_24 = arith.addi %scan3A_22, %scan3A_23 : i32
      %scan3A_25 = arith.constant 1 : i32
      scf.for %scan3A_27 = %scan3A_22 to %scan3A_24 step %scan3A_25  : i32 {
        %jit3A = arith.constant 8 : i32
        %div3A = arith.divsi %scan3A_27, %jit3A : i32
        %sign3A = arith.constant 0 : i32
        %sign3A_28 = arith.cmpi sgt, %scan3A_27, %sign3A : i32
        %sign3A_29 = arith.extui %sign3A_28 : i1 to i32
        %sign3A_30 = arith.constant 0 : i32
        %sign3A_31 = arith.cmpi slt, %scan3A_27, %sign3A_30 : i32
        %sign3A_32 = arith.extui %sign3A_31 : i1 to i32
        %sign3A_33 = arith.subi %sign3A_29, %sign3A_32 : i32
        %sign3A_34 = arith.constant 0 : i32
        %sign3A_35 = arith.cmpi sgt, %jit3A, %sign3A_34 : i32
        %sign3A_36 = arith.extui %sign3A_35 : i1 to i32
        %sign3A_37 = arith.constant 0 : i32
        %sign3A_38 = arith.cmpi slt, %jit3A, %sign3A_37 : i32
        %sign3A_39 = arith.extui %sign3A_38 : i1 to i32
        %sign3A_40 = arith.subi %sign3A_36, %sign3A_39 : i32
        %ne3A = arith.cmpi ne, %sign3A_33, %sign3A_40 : i32
        %rem3A = arith.remsi %scan3A_27, %jit3A : i32
        %ne3A_41 = arith.constant 0 : i32
        %ne3A_42 = arith.cmpi ne, %rem3A, %ne3A_41 : i32
        %and3A = arith.andi %ne3A, %ne3A_42 : i1
        %sub3A = arith.constant 1 : i32
        %sub3A_43 = arith.subi %div3A, %sub3A : i32
        %select_n3A = arith.select %and3A, %sub3A_43, %div3A : i32
        %jit3A_44 = arith.constant 8 : i32
        %eq3A_45 = arith.constant 0 : i32
        %eq3A_46 = arith.cmpi eq, %jit3A_44, %eq3A_45 : i32
        %jit3A_47 = arith.constant 1 : i32
        %select_n3A_48 = arith.select %eq3A_46, %jit3A_47, %jit3A_44 : i32
        %rem3A_49 = arith.remsi %scan3A_27, %select_n3A_48 : i32
        %ne3A_50 = arith.constant 0 : i32
        %ne3A_51 = arith.cmpi ne, %rem3A_49, %ne3A_50 : i32
        %lt3A = arith.constant 0 : i32
        %lt3A_52 = arith.cmpi slt, %rem3A_49, %lt3A : i32
        %lt3A_53 = arith.constant 0 : i32
        %lt3A_54 = arith.cmpi slt, %select_n3A_48, %lt3A_53 : i32
        %ne3A_55 = arith.xori %lt3A_52, %lt3A_54 : i1
        %and3A_56 = arith.andi %ne3A_55, %ne3A_51 : i1
        %add3A_57 = arith.addi %rem3A_49, %select_n3A_48 : i32
        %select_n3A_58 = arith.select %and3A_56, %add3A_57, %rem3A_49 : i32
        %mul3A_59 = arith.constant 16 : i32
        %mul3A_60 = arith.muli %select_n3A_58, %mul3A_59 : i32
        %get3A = arith.index_cast %select_n3A : i32 to index
        %get3A_61 = arith.index_cast %mul3A_60 : i32 to index
        %get3A_62 = tpu.vector_load %arg5[%get3A, %get3A_61] {strides = array<i32>} : memref<22x128xf32, #tpu.memory_space<vmem>>, vector<1x16xf32>,
        %get3A_63 = vector.shape_cast %get3A_62 : vector<1x16xf32> to vector<16xf32>
        %mul3A_64 = arith.constant 11.3137083 : f32
        %mul3A_65 = vector.broadcast %mul3A_64 : f32 to vector<16xf32>
        %mul3A_66 = arith.mulf %get3A_63, %mul3A_65 : vector<16xf32>
        %swap3A = arith.index_cast %select_n3A : i32 to index
        %swap3A_67 = arith.index_cast %mul3A_60 : i32 to index
        %swap3A_68 = tpu.vector_load %arg5[%swap3A, %swap3A_67] {strides = array<i32>} : memref<22x128xf32, #tpu.memory_space<vmem>>, vector<1x16xf32>,
        %swap3A_69 = vector.shape_cast %swap3A_68 : vector<1x16xf32> to vector<16xf32>
        %swap3A_70 = vector.shape_cast %mul3A_66 : vector<16xf32> to vector<1x16xf32>
        tpu.vector_store %arg5[%swap3A, %swap3A_67], %swap3A_70 {strides = array<i32>} : memref<22x128xf32, #tpu.memory_space<vmem>>, vector<1x16xf32>,
      }
      %scan3A_26 = arith.constant 176 : i32
      "tpu.region"() ({
        %run_scoped3A = tpu.sem_alloc : memref<!tpu.dma_semaphore, #tpu.memory_space<semaphore_mem>>
        tpu.enqueue_dma source(%arg5 : memref<22x128xf32, #tpu.memory_space<vmem>>) target(%arg6 : memref<22x128xf32, #tpu.memory_space<vmem_shared>>) target_semaphore(%run_scoped3A : memref<!tpu.dma_semaphore, #tpu.memory_space<semaphore_mem>>)
        tpu.wait_dma2 semaphore(%run_scoped3A : memref<!tpu.dma_semaphore, #tpu.memory_space<semaphore_mem>>) src(%arg5 : memref<22x128xf32, #tpu.memory_space<vmem>>) dst(%arg6 : memref<22x128xf32, #tpu.memory_space<vmem_shared>>)
        tpu.yield
      }) : () -> ()
    } else {
    }
    %barrier3A = arith.constant 0 : index
    tpu.barrier barrier_id(%barrier3A)
    "tpu.region"() ({
      %run_scoped3A = tpu.sem_alloc : memref<!tpu.dma_semaphore, #tpu.memory_space<semaphore_mem>>
      %dma_start3A_21 = arith.constant 0 : i32
      %dma_start3A_22 = arith.constant 0 : i32
      %dma_start3A_23 = tpu.memref_slice %arg2[%add3A, %dma_start3A_21, %dma_start3A_22] : memref<32x256x128xi32, #tpu.memory_space<hbm>> -> memref<1x256x128xi32, #tpu.memory_space<hbm>>
      %dma_start3A_24 = tpu.memref_squeeze %dma_start3A_23 : memref<1x256x128xi32, #tpu.memory_space<hbm>> -> memref<256x128xi32, #tpu.memory_space<hbm>>
      %dma_start3A_25 = arith.constant 0 : i32
      %dma_start3A_26 = arith.constant 0 : i32
      %dma_start3A_27 = tpu.memref_slice %arg2[%add3A, %dma_start3A_25, %dma_start3A_26] : memref<32x256x128xi32, #tpu.memory_space<hbm>> -> memref<1x256x128xi32, #tpu.memory_space<hbm>>
      %dma_start3A_28 = tpu.memref_squeeze %dma_start3A_27 : memref<1x256x128xi32, #tpu.memory_space<hbm>> -> memref<256x128xi32, #tpu.memory_space<hbm>>
      tpu.enqueue_dma source(%dma_start3A_28 : memref<256x128xi32, #tpu.memory_space<hbm>>) target(%arg7 : memref<256x128xi32, #tpu.memory_space<vmem>>) target_semaphore(%run_scoped3A : memref<!tpu.dma_semaphore, #tpu.memory_space<semaphore_mem>>)
      %dma_wait3A_29 = arith.constant 0 : i32
      %dma_wait3A_30 = arith.constant 0 : i32
      %dma_wait3A_31 = tpu.memref_slice %arg2[%add3A, %dma_wait3A_29, %dma_wait3A_30] : memref<32x256x128xi32, #tpu.memory_space<hbm>> -> memref<1x256x128xi32, #tpu.memory_space<hbm>>
      %dma_wait3A_32 = tpu.memref_squeeze %dma_wait3A_31 : memref<1x256x128xi32, #tpu.memory_space<hbm>> -> memref<256x128xi32, #tpu.memory_space<hbm>>
      %dma_wait3A_33 = arith.constant 0 : i32
      %dma_wait3A_34 = arith.constant 0 : i32
      %dma_wait3A_35 = tpu.memref_slice %arg2[%add3A, %dma_wait3A_33, %dma_wait3A_34] : memref<32x256x128xi32, #tpu.memory_space<hbm>> -> memref<1x256x128xi32, #tpu.memory_space<hbm>>
      %dma_wait3A_36 = tpu.memref_squeeze %dma_wait3A_35 : memref<1x256x128xi32, #tpu.memory_space<hbm>> -> memref<256x128xi32, #tpu.memory_space<hbm>>
      tpu.wait_dma2 semaphore(%run_scoped3A : memref<!tpu.dma_semaphore, #tpu.memory_space<semaphore_mem>>) src(%dma_wait3A_36 : memref<256x128xi32, #tpu.memory_space<hbm>>) dst(%arg7 : memref<256x128xi32, #tpu.memory_space<vmem>>)
      tpu.yield
    }) : () -> ()
    %dma_start3A = arith.constant 0 : i32
    %dma_start3A_5 = arith.constant 0 : i32
    %dma_start3A_6 = tpu.memref_slice %arg7[%dma_start3A, %dma_start3A_5] : memref<256x128xi32, #tpu.memory_space<vmem>> -> memref<1x128xi32, #tpu.memory_space<vmem>>
    %dma_start3A_7 = tpu.memref_squeeze %dma_start3A_6 : memref<1x128xi32, #tpu.memory_space<vmem>> -> memref<128xi32, #tpu.memory_space<vmem>>
    %dma_start3A_8 = arith.constant 0 : i32
    %dma_start3A_9 = arith.constant 0 : i32
    %dma_start3A_10 = tpu.memref_slice %arg6[%dma_start3A_8, %dma_start3A_9] : memref<22x128xf32, #tpu.memory_space<vmem_shared>> -> memref<22x128xf32, #tpu.memory_space<vmem_shared>>
    tpu.enqueue_indirect_dma source(%dma_start3A_10 : memref<22x128xf32, #tpu.memory_space<vmem_shared>>) target(%arg8 : memref<128x128xf32, #tpu.memory_space<vmem>>) offsets(%dma_start3A_7 : memref<128xi32, #tpu.memory_space<vmem>>) semaphore(%arg10 : memref<!tpu.dma_semaphore, #tpu.memory_space<semaphore_mem>>)
    %scan3A = arith.constant 0 : i32
    %scan3A_11 = arith.constant 0 : i32
    %scan3A_12 = arith.constant 128 : i32
    %scan3A_13 = arith.addi %scan3A_11, %scan3A_12 : i32
    %scan3A_14 = arith.constant 1 : i32
    scf.for %scan3A_21 = %scan3A_11 to %scan3A_13 step %scan3A_14  : i32 {
      %mul3A_22 = arith.constant 2 : i32
      %mul3A_23 = arith.muli %mul3A_22, %scan3A_21 : i32
      %dma_wait3A_24 = arith.constant 0 : i32
      %dma_wait3A_25 = tpu.memref_slice %arg7[%mul3A_23, %dma_wait3A_24] : memref<256x128xi32, #tpu.memory_space<vmem>> -> memref<1x128xi32, #tpu.memory_space<vmem>>
      %dma_wait3A_26 = tpu.memref_squeeze %dma_wait3A_25 : memref<1x128xi32, #tpu.memory_space<vmem>> -> memref<128xi32, #tpu.memory_space<vmem>>
      %dma_wait3A_27 = arith.constant 0 : i32
      %dma_wait3A_28 = arith.constant 0 : i32
      %dma_wait3A_29 = tpu.memref_slice %arg6[%dma_wait3A_27, %dma_wait3A_28] : memref<22x128xf32, #tpu.memory_space<vmem_shared>> -> memref<22x128xf32, #tpu.memory_space<vmem_shared>>
      tpu.wait_indirect_dma semaphore(%arg10 : memref<!tpu.dma_semaphore, #tpu.memory_space<semaphore_mem>>) src(%dma_wait3A_29 : memref<22x128xf32, #tpu.memory_space<vmem_shared>>) dst(%arg8 : memref<128x128xf32, #tpu.memory_space<vmem>>)
      %gt3A = arith.constant 0 : i32
      %gt3A_30 = arith.cmpi sgt, %scan3A_21, %gt3A : i32
      %convert_element_type3A_31 = arith.extui %gt3A_30 : i1 to i32
      %cond3A_32 = arith.constant 0 : i32
      %cond3A_33 = arith.cmpi ne, %convert_element_type3A_31, %cond3A_32 : i32
      scf.if %cond3A_33 {
        %sub3A = arith.constant 1 : i32
        %sub3A_79 = arith.subi %mul3A_23, %sub3A : i32
        %mul3A_80 = arith.constant 128 : i32
        %mul3A_81 = arith.muli %sub3A_79, %mul3A_80 : i32
        %add3A_82 = arith.addi %mul3A_2, %mul3A_81 : i32
        %dma_wait3A_83 = arith.constant 0 : i32
        %dma_wait3A_84 = tpu.memref_slice %arg4[%add3A_82, %dma_wait3A_83] : memref<1048576x128xf32, #tpu.memory_space<hbm>> -> memref<128x128xf32, #tpu.memory_space<hbm>>
        %dma_wait3A_85 = arith.constant 0 : i32
        %dma_wait3A_86 = tpu.memref_slice %arg4[%add3A_82, %dma_wait3A_85] : memref<1048576x128xf32, #tpu.memory_space<hbm>> -> memref<128x128xf32, #tpu.memory_space<hbm>>
        tpu.wait_dma2 semaphore(%arg13 : memref<!tpu.dma_semaphore, #tpu.memory_space<semaphore_mem>>) src(%arg9 : memref<128x128xf32, #tpu.memory_space<vmem>>) dst(%dma_wait3A_86 : memref<128x128xf32, #tpu.memory_space<hbm>>)
      } else {
      }
      %add3A_34 = arith.constant 1 : i32
      %add3A_35 = arith.addi %mul3A_23, %add3A_34 : i32
      %dma_start3A_36 = arith.constant 0 : i32
      %dma_start3A_37 = tpu.memref_slice %arg7[%add3A_35, %dma_start3A_36] : memref<256x128xi32, #tpu.memory_space<vmem>> -> memref<1x128xi32, #tpu.memory_space<vmem>>
      %dma_start3A_38 = tpu.memref_squeeze %dma_start3A_37 : memref<1x128xi32, #tpu.memory_space<vmem>> -> memref<128xi32, #tpu.memory_space<vmem>>
      %dma_start3A_39 = arith.constant 0 : i32
      %dma_start3A_40 = arith.constant 0 : i32
      %dma_start3A_41 = tpu.memref_slice %arg6[%dma_start3A_39, %dma_start3A_40] : memref<22x128xf32, #tpu.memory_space<vmem_shared>> -> memref<22x128xf32, #tpu.memory_space<vmem_shared>>
      tpu.enqueue_indirect_dma source(%dma_start3A_41 : memref<22x128xf32, #tpu.memory_space<vmem_shared>>) target(%arg9 : memref<128x128xf32, #tpu.memory_space<vmem>>) offsets(%dma_start3A_38 : memref<128xi32, #tpu.memory_space<vmem>>) semaphore(%arg11 : memref<!tpu.dma_semaphore, #tpu.memory_space<semaphore_mem>>)
      %mul3A_42 = arith.constant 128 : i32
      %mul3A_43 = arith.muli %mul3A_23, %mul3A_42 : i32
      %add3A_44 = arith.addi %mul3A_2, %mul3A_43 : i32
      %dma_start3A_45 = arith.constant 0 : i32
      %dma_start3A_46 = tpu.memref_slice %arg4[%add3A_44, %dma_start3A_45] : memref<1048576x128xf32, #tpu.memory_space<hbm>> -> memref<128x128xf32, #tpu.memory_space<hbm>>
      %dma_start3A_47 = arith.constant 0 : i32
      %dma_start3A_48 = tpu.memref_slice %arg4[%add3A_44, %dma_start3A_47] : memref<1048576x128xf32, #tpu.memory_space<hbm>> -> memref<128x128xf32, #tpu.memory_space<hbm>>
      tpu.enqueue_dma source(%arg8 : memref<128x128xf32, #tpu.memory_space<vmem>>) target(%dma_start3A_48 : memref<128x128xf32, #tpu.memory_space<hbm>>) target_semaphore(%arg12 : memref<!tpu.dma_semaphore, #tpu.memory_space<semaphore_mem>>)
      %add3A_49 = arith.constant 1 : i32
      %add3A_50 = arith.addi %mul3A_23, %add3A_49 : i32
      %dma_wait3A_51 = arith.constant 0 : i32
      %dma_wait3A_52 = tpu.memref_slice %arg7[%add3A_50, %dma_wait3A_51] : memref<256x128xi32, #tpu.memory_space<vmem>> -> memref<1x128xi32, #tpu.memory_space<vmem>>
      %dma_wait3A_53 = tpu.memref_squeeze %dma_wait3A_52 : memref<1x128xi32, #tpu.memory_space<vmem>> -> memref<128xi32, #tpu.memory_space<vmem>>
      %dma_wait3A_54 = arith.constant 0 : i32
      %dma_wait3A_55 = arith.constant 0 : i32
      %dma_wait3A_56 = tpu.memref_slice %arg6[%dma_wait3A_54, %dma_wait3A_55] : memref<22x128xf32, #tpu.memory_space<vmem_shared>> -> memref<22x128xf32, #tpu.memory_space<vmem_shared>>
      tpu.wait_indirect_dma semaphore(%arg11 : memref<!tpu.dma_semaphore, #tpu.memory_space<semaphore_mem>>) src(%dma_wait3A_56 : memref<22x128xf32, #tpu.memory_space<vmem_shared>>) dst(%arg9 : memref<128x128xf32, #tpu.memory_space<vmem>>)
      %mul3A_57 = arith.constant 128 : i32
      %mul3A_58 = arith.muli %mul3A_23, %mul3A_57 : i32
      %add3A_59 = arith.addi %mul3A_2, %mul3A_58 : i32
      %dma_wait3A_60 = arith.constant 0 : i32
      %dma_wait3A_61 = tpu.memref_slice %arg4[%add3A_59, %dma_wait3A_60] : memref<1048576x128xf32, #tpu.memory_space<hbm>> -> memref<128x128xf32, #tpu.memory_space<hbm>>
      %dma_wait3A_62 = arith.constant 0 : i32
      %dma_wait3A_63 = tpu.memref_slice %arg4[%add3A_59, %dma_wait3A_62] : memref<1048576x128xf32, #tpu.memory_space<hbm>> -> memref<128x128xf32, #tpu.memory_space<hbm>>
      tpu.wait_dma2 semaphore(%arg12 : memref<!tpu.dma_semaphore, #tpu.memory_space<semaphore_mem>>) src(%arg8 : memref<128x128xf32, #tpu.memory_space<vmem>>) dst(%dma_wait3A_63 : memref<128x128xf32, #tpu.memory_space<hbm>>)
      %add3A_64 = arith.constant 1 : i32
      %add3A_65 = arith.addi %scan3A_21, %add3A_64 : i32
      %lt3A = arith.constant 128 : i32
      %lt3A_66 = arith.cmpi slt, %add3A_65, %lt3A : i32
      %convert_element_type3A_67 = arith.extui %lt3A_66 : i1 to i32
      %cond3A_68 = arith.constant 0 : i32
      %cond3A_69 = arith.cmpi ne, %convert_element_type3A_67, %cond3A_68 : i32
      scf.if %cond3A_69 {
        %add3A_79 = arith.constant 2 : i32
        %add3A_80 = arith.addi %mul3A_23, %add3A_79 : i32
        %dma_start3A_81 = arith.constant 0 : i32
        %dma_start3A_82 = tpu.memref_slice %arg7[%add3A_80, %dma_start3A_81] : memref<256x128xi32, #tpu.memory_space<vmem>> -> memref<1x128xi32, #tpu.memory_space<vmem>>
        %dma_start3A_83 = tpu.memref_squeeze %dma_start3A_82 : memref<1x128xi32, #tpu.memory_space<vmem>> -> memref<128xi32, #tpu.memory_space<vmem>>
        %dma_start3A_84 = arith.constant 0 : i32
        %dma_start3A_85 = arith.constant 0 : i32
        %dma_start3A_86 = tpu.memref_slice %arg6[%dma_start3A_84, %dma_start3A_85] : memref<22x128xf32, #tpu.memory_space<vmem_shared>> -> memref<22x128xf32, #tpu.memory_space<vmem_shared>>
        tpu.enqueue_indirect_dma source(%dma_start3A_86 : memref<22x128xf32, #tpu.memory_space<vmem_shared>>) target(%arg8 : memref<128x128xf32, #tpu.memory_space<vmem>>) offsets(%dma_start3A_83 : memref<128xi32, #tpu.memory_space<vmem>>) semaphore(%arg10 : memref<!tpu.dma_semaphore, #tpu.memory_space<semaphore_mem>>)
      } else {
      }
      %add3A_70 = arith.constant 1 : i32
      %add3A_71 = arith.addi %mul3A_23, %add3A_70 : i32
      %mul3A_72 = arith.constant 128 : i32
      %mul3A_73 = arith.muli %add3A_71, %mul3A_72 : i32
      %add3A_74 = arith.addi %mul3A_2, %mul3A_73 : i32
      %dma_start3A_75 = arith.constant 0 : i32
      %dma_start3A_76 = tpu.memref_slice %arg4[%add3A_74, %dma_start3A_75] : memref<1048576x128xf32, #tpu.memory_space<hbm>> -> memref<128x128xf32, #tpu.memory_space<hbm>>
      %dma_start3A_77 = arith.constant 0 : i32
      %dma_start3A_78 = tpu.memref_slice %arg4[%add3A_74, %dma_start3A_77] : memref<1048576x128xf32, #tpu.memory_space<hbm>> -> memref<128x128xf32, #tpu.memory_space<hbm>>
      tpu.enqueue_dma source(%arg9 : memref<128x128xf32, #tpu.memory_space<vmem>>) target(%dma_start3A_78 : memref<128x128xf32, #tpu.memory_space<hbm>>) target_semaphore(%arg13 : memref<!tpu.dma_semaphore, #tpu.memory_space<semaphore_mem>>)
    }
    %scan3A_15 = arith.constant 128 : i32
    %add3A_16 = arith.constant 32640 : i32
    %add3A_17 = arith.addi %mul3A_2, %add3A_16 : i32
    %dma_wait3A = arith.constant 0 : i32
    %dma_wait3A_18 = tpu.memref_slice %arg4[%add3A_17, %dma_wait3A] : memref<1048576x128xf32, #tpu.memory_space<hbm>> -> memref<128x128xf32, #tpu.memory_space<hbm>>
    %dma_wait3A_19 = arith.constant 0 : i32
    %dma_wait3A_20 = tpu.memref_slice %arg4[%add3A_17, %dma_wait3A_19] : memref<1048576x128xf32, #tpu.memory_space<hbm>> -> memref<128x128xf32, #tpu.memory_space<hbm>>
    tpu.wait_dma2 semaphore(%arg13 : memref<!tpu.dma_semaphore, #tpu.memory_space<semaphore_mem>>) src(%arg9 : memref<128x128xf32, #tpu.memory_space<vmem>>) dst(%dma_wait3A_20 : memref<128x128xf32, #tpu.memory_space<hbm>>)
    return
  }
}

</mosaic_0001>

<sc_bundles>
// kernel: _sc_embed.3.cloned.1.call-start
scs
__scs_entry_jumppad:
0x0: {  	(pc) =	sbr.rel $0x88, $3  }
0x1: {  	(tag) =	ssettag $0x0;
	lr =	simm.s32 $0x1  }
0x2: {  	[smem:$0x3F9F] =	sst lr;
	_ =	strace $0xD0000000  }
0x3: {  	_ = 	snop  }
0x4: {  	_ = 	snop  }
0x5: {  	_ = 	snop  }
0x6: {  	_ = 	snop  }
0x7: {  	_ = 	snop  }
__scs_overlays_trampoline_lowered:
0x8: {  	[smem:$0x3FAE] =	sst s0  }
0x9: {  	[smem:$0x3FAF] =	sst s1  }
0xa: {  	[smem:$0x3FB0] =	sst s2  }
0xb: {  	[smem:$0x3FB1] =	sst s3  }
0xc: {  	[smem:$0x3FB2] =	sst s4  }
0xd: {  	[smem:$0x3FB3] =	sst s5  }
0xe: {  	[smem:$0x3FB4] =	sst s6  }
0xf: {  	[smem:$0x3FB5] =	sst s7  }
0x10: {  	[smem:$0x3FB6] =	sst s8  }
0x11: {  	[smem:$0x3FB7] =	sst s9;
	s0 =	simm.s32 @!p0 $0x0  }
0x12: {  	s1 =	sld [smem:$0x3F9D];
	s0 =	simm.s32 @p0 $0x1  }
0x13: {  	[smem:$0x3FB8] =	sst s0;
	s0 =	simm.s32 @!p1 $0x0  }
0x14: {  	s2 =	sld [smem:$0x3F9C];
	s0 =	simm.s32 @p1 $0x1  }
0x15: {  	[smem:$0x3FB9] =	sst s0;
	s0 =	simm.s32 @!p2 $0x0  }
0x16: {  	s3 =	sld [smem:$0x3FDB];
	s0 =	simm.s32 @p2 $0x1  }
0x17: {  	s4 =	simm.s32 $0x1BF5;
	[smem:$0x3FBB] =	sst s0  }
0x18: {  	s0 =	sld [smem:$0x3F9E];
	_ =	swait.ge [sflag:s4], $0x0  }
0x19: {  	s7 =	sld [smem:$0x3F9F]  }
0x1a: {  	s8 =	sadd.s32 $0xFFFFE003, lr  }
0x1b: {  	s9 =	sadd.s32 $0xFFFFFEF7, lr;
	s5 =	simm.s32 $0xFFFFFFFF;
	p2 =	slt.u32 s8, $0xFFFFF086  }
0x1c: {  	p1 =	slt.u32 s9, $0xF7A;
	s5 =	simm.s32 @!p2 $0x0  }
0x1d: {  	s5 =	simm.s32 @p1 $0x1;
	p0 =	seq.s32 s7, s2  }
0x1e: {  	s7 =	smul.u32 @!p0 $0xF7A, s2;
	p2 =	seq.s32 @!p0 s5, $0x0  }
0x1f: {  	s9 =	smul.u32 $0xF7A, s1;
	s8 =	simm.s32 @!p0 $0x1BF5;
	p2 =	por !p2, p0  }
0x20: {  	[sflag:s8] =	ssyncset.s32 @!p0 $0xFFFFF086;
	s6 =	sadd.s32 @!p0 s3, s7;
	s7 =	simm.s32 @!p0 $0x108  }
0x21: {  	s3 =	sadd.s32 s3, s9;
	s6 =	sadd.s32 @!p0 $0x88, s6;
	s7 =	simm.s32 @p2 $0x1082  }
0x22: {  	[simem:s7], [sflag:s8] =	dma.local @!p0 [hbm:s6], $0xF7A  }
0x23: {  	s9 =	sor.u32 $0xD0000000, s2;
	s6 =	simm.s32 $0x108;
	_ =	swait.ge @!p0 [sflag:s8], $0x0  }
0x24: {  	s3 =	sadd.s32 $0x88, s3;
	s6 =	simm.s32 @!p1 $0x1082;
	[sflag:s4] =	ssyncset.s32 $0xFFFFF086  }
0x25: {  	[simem:s6], [sflag:s4] =	dma.local [hbm:s3], $0xF7A  }
0x26: {  	[smem:$0x3F9F] =	sst s1;
	(tag) =	ssettag s2;
	_ =	strace s9  }
0x27: {  	s1 =	sld [smem:$0x3FAF]  }
0x28: {  	s2 =	sld [smem:$0x3FB0]  }
0x29: {  	s4 =	sld [smem:$0x3FB2]  }
0x2a: {  	p0 =	seq.s32 s5, $0x0;
	s5 =	sld [smem:$0x3FB3]  }
0x2b: {  	s6 =	sld [smem:$0x3FB4]  }
0x2c: {  	s7 =	sld [smem:$0x3FB5]  }
0x2d: {  	s3 =	simm.s32 $0x108;
	s8 =	sld [smem:$0x3FB6]  }
0x2e: {  	s3 =	simm.s32 @!p0 $0x1082;
	s9 =	sld [smem:$0x3FB7]  }
0x2f: {  	lr =	sadd.s32 s0, s3;
	s0 =	sld [smem:$0x3FAE]  }
0x30: {  	s3 =	sld [smem:$0x3FB1]  }
0x31: {  	[smem:$0x3FBA] =	sst s10  }
0x32: {  	s10 =	sld [smem:$0x3FB8];
	_ =	sdelay $0x3  }
0x33: {  	p0 =	seq.s32 s10, $0x1;
	s10 =	sld [smem:$0x3FBA];
	_ =	sdelay $0x3  }
0x34: {  	[smem:$0x3FBA] =	sst s10  }
0x35: {  	s10 =	sld [smem:$0x3FB9];
	_ =	sdelay $0x3  }
0x36: {  	p1 =	seq.s32 s10, $0x1;
	s10 =	sld [smem:$0x3FBA];
	_ =	sdelay $0x3  }
0x37: {  	[smem:$0x3FBA] =	sst s10  }
0x38: {  	s10 =	sld [smem:$0x3FBB]  }
0x39: {  	_ = 	snop;
	(pc) =	sbr.ind lr, $3  }
0x3a: {  	_ = 	snop  }
0x3b: {  	_ = 	snop  }
0x3c: {  	p2 =	seq.s32 s10, $0x1;
	s10 =	sld [smem:$0x3FBA]  }
0x3d: {  	_ =	shalt  }
0x3e: {  	_ =	shalt  }
0x3f: {  	_ =	shalt  }
0x40: {  	_ =	shalt  }
0x41: {  	_ =	shalt  }
0x42: {  	_ =	shalt  }
0x43: {  	_ =	shalt  }
0x44: {  	_ =	shalt  }
0x45: {  	_ =	shalt  }
0x46: {  	_ =	shalt  }
0x47: {  	_ =	shalt  }
0x48: {  	_ =	shalt  }
0x49: {  	_ =	shalt  }
0x4a: {  	_ =	shalt  }
0x4b: {  	_ =	shalt  }
0x4c: {  	_ =	shalt  }
0x4d: {  	_ =	shalt  }
0x4e: {  	_ =	shalt  }
0x4f: {  	_ =	shalt  }
0x50: {  	_ =	shalt  }
0x51: {  	_ =	shalt  }
0x52: {  	_ =	shalt  }
0x53: {  	_ =	shalt  }
0x54: {  	_ =	shalt  }
0x55: {  	_ =	shalt  }
0x56: {  	_ =	shalt  }
0x57: {  	_ =	shalt  }
0x58: {  	_ =	shalt  }
0x59: {  	_ =	shalt  }
0x5a: {  	_ =	shalt  }
0x5b: {  	_ =	shalt  }
0x5c: {  	_ =	shalt  }
0x5d: {  	_ =	shalt  }
0x5e: {  	_ =	shalt  }
0x5f: {  	_ =	shalt  }
0x60: {  	_ =	shalt  }
0x61: {  	_ =	shalt  }
0x62: {  	_ =	shalt  }
0x63: {  	_ =	shalt  }
0x64: {  	_ =	shalt  }
0x65: {  	_ =	shalt  }
0x66: {  	_ =	shalt  }
0x67: {  	_ =	shalt  }
0x68: {  	_ =	shalt  }
0x69: {  	_ =	shalt  }
0x6a: {  	_ =	shalt  }
0x6b: {  	_ =	shalt  }
0x6c: {  	_ =	shalt  }
0x6d: {  	_ =	shalt  }
0x6e: {  	_ =	shalt  }
0x6f: {  	_ =	shalt  }
0x70: {  	_ =	shalt  }
0x71: {  	_ =	shalt  }
0x72: {  	_ =	shalt  }
0x73: {  	_ =	shalt  }
0x74: {  	_ =	shalt  }
0x75: {  	_ =	shalt  }
0x76: {  	_ =	shalt  }
0x77: {  	_ =	shalt  }
0x78: {  	_ =	shalt  }
0x79: {  	_ =	shalt  }
0x7a: {  	_ =	shalt  }
0x7b: {  	_ =	shalt  }
0x7c: {  	_ =	shalt  }
0x7d: {  	_ =	shalt  }
0x7e: {  	_ =	shalt  }
0x7f: {  	_ =	shalt  }
0x80: {  	_ =	shalt  }
0x81: {  	_ =	shalt  }
0x82: {  	_ =	shalt  }
0x83: {  	_ =	shalt  }
0x84: {  	_ =	shalt  }
0x85: {  	_ =	shalt  }
0x86: {  	_ =	shalt  }
0x87: {  	_ =	shalt  }
.Lfunc_end0:
.L_simem_size_0:
called_computation_lowered:
.L_overlay_start_0:
0x88: {  	s2 =	sld [smem:$0x3FD9]  }
0x89: {  	s3 =	sld [smem:$0x3FFE];
	_ =	sdelay $0x1  }
0x8a: {  	s1 =	srdreg.scid  }
0x8b: {  	s0 =	sand.u32 $0x1, s1  }
0x8c: {  	s18 =	sshll.u32 s0, $0xA;
	s2 =	sadd.s32 s3, s2  }
0x8d: {  	s2 =	sadd.s32 s2, s18  }
0x8e: {  	[smem:$0x3FC6] =	sst s2  }
0x8f: {  	_ = 	snop  }
0x90: {  	s2 =	sld [smem:$0x3FC9]  }
0x91: {  	s19 =	sld [smem:$0x3FC8]  }
0x92: {  	s4 =	sld [smem:$0x3FD0];
	(tm) =	ssettm $0x1  }
0x93: {  	s5 =	sld [smem:$0x3FFB];
	_ =	sdelay $0x3  }
0x94: {  	_ =	strace s5  }
0x95: {  	s5 =	sld [smem:$0x3FFC];
	_ =	sdelay $0x3  }
0x96: {  	_ =	strace s5  }
0x97: {  	s5 =	sld [smem:$0x3FFD];
	_ =	sdelay $0x3  }
0x98: {  	_ =	strace s5  }
0x99: {  	_ =	strace $0x8FFFFFFF  }
0x9a: {  	s20 =	sld [smem:$0x3FDB];
	_ =	sdelay $0x1  }
0x9b: {  	s6 =	simm.s32 $_scs_section_size  }
0x9c: {  	s7 =	simm.s32 $_size__tile_overlayer_lowered;
	s8 =	simm.s32 $_tile_overlayer_lowered  }
0x9d: {  	s23 =	simm.s32 $0x1BFF;
	s22 =	sshll.u32 s8, $0x1;
	s5 =	sadd.s32 s6, s20  }
0x9e: {  	s9 =	simm.s32 $0x0;
	s21 =	sshll.u32 s7, $0x1;
	s7 =	sadd.s32 s22, s5  }
0x9f: {  	[timem:s9], [sflag:s23] =	dma.local [hbm:s7], s21  }
0xa0: {  	_ =	swait.ge [sflag:s23], s21  }
0xa1: {  	s6 =	ssub.s32 $0x0, s21;
	[sflag:s23] =	ssyncset.done $0x0  }
0xa2: {  	[sflag:s23] =	ssyncadd.s32 s6;
	_ =	sdelay $0x1  }
0xa3: {  	s24 =	simm.s32 $0x1B8B  }
0xa4: {  	_ =	swait.ge [sflag:s24], $0x1  }
0xa5: {  	[sflag:s24] =	ssyncset.done $0x0  }
0xa6: {  	s25 =	simm.s32 $0x1B8E;
	[sflag:s24] =	ssyncadd.s32 $0xFFFFFFFF  }
0xa7: {  	s26 =	simm.s32 $execute0_lowered;
	[smem:$0x3FD2] =	sst s25  }
0xa8: {  	s6 =	sshll.u32 s26, $0x1;
	_ =	strace $0x80000046;
	[dreg:$0x1] =	wrdreg $0xFFFFFFFF  }
0xa9: {  	s28 =	simm.s32 $_size_execute0_lowered;
	s5 =	sadd.s32 s5, s6;
	[dreg:$0x0] =	wrdreg $0x0  }
0xaa: {  	s6 =	sshll.u32 s28, $0x1;
	[dreg:$0x2] =	wrdreg s5  }
0xab: {  	[dreg:$0x3] =	wrdreg s6  }
0xac: {  	[dreg:$0x4] =	wrdreg $0xC0  }
0xad: {  	_ =	task [dreg:s9], $0x5FFFF  }
0xae: {  	[dreg:$0x1] =	wrdreg $0xFFFFFFFF  }
0xaf: {  	[dreg:$0x0] =	wrdreg $0x60  }
0xb0: {  	[dreg:$0x2] =	wrdreg s2  }
0xb1: {  	[dreg:$0x3] =	wrdreg s19  }
0xb2: {  	[dreg:$0x4] =	wrdreg s4  }
0xb3: {  	[dreg:$0x5] =	wrdreg $0xC000  }
0xb4: {  	[dreg:$0x6] =	wrdreg $0x9  }
0xb5: {  	_ =	task.clear_ibuf [dreg:s9], $0x7FFFF;
	_ =	strace $0x90000046  }
0xb6: {  	s29 =	simm.s32 $0x9;
	_ =	strace $0x80000048  }
0xb7: {  	_ =	swait.ge [sflag:s29], $0x1  }
0xb8: {  	[sflag:s29] =	ssyncadd.s32 $0xFFFFFFFF  }
0xb9: {  	_ =	strace $0x90000048  }
0xba: {  	_ =	sfence  }
0xbb: {  	s30 =	sld [smem:$0x0];
	_ =	sdelay $0x2  }
0xbc: {  	s31 =	sshll.u32 s1, $0xD;
	s1 =	sshrl.u32 s1, $0x2  }
0xbd: {  	s3 =	sand.u32 $0x4000, s31;
	s1 =	sadd.s32 s1, s30  }
0xbe: {  	s0 =	sor.u32 s3, s0;
	s1 =	sshll.u32 s1, $0x11  }
0xbf: {  	s0 =	sor.u32 s1, s0  }
0xc0: {  	s0 =	sadd.s32 $0x8F2B, s0  }
0xc1: {  	[sflag:s0] =	ssyncadd.remote.s32 $0x1  }
0xc2: {  	_ =	sfence.sel $0xFFFF  }
0xc3: {  	[dreg:$0x0] =	wrdreg $0xFFFFFFFF;
	(pc) =	sbr.abs _section_cstart, $3  }
0xc4: {  	[dreg:$0x1] =	wrdreg $0xFFFFFFFF  }
0xc5: {  	_ =	task.clear_ibuf [dreg:s9], $0x2FFFF;
	_ =	strace $0x9FFFFFFF  }
0xc6: {  	(tm) =	ssettm $0x7FFFFFFF  }
0xc7: {  	_ =	shalt  }
tec
execute0_lowered:
.L_overlay_start_1:
0x0: {  	(tag) =	ssettag $0x1  }
0x1: {  	s4 =	rddreg [dreg:$0x0]  }
0x2: {  	s1 =	rddreg [dreg:$0x1]  }
0x3: {  	s8 =	rddreg [dreg:$0x2]  }
0x4: {  	s2 =	rddreg [dreg:$0x3];
	s3 =	srdreg.scid  }
0x5: {  	s0 =	rddreg [dreg:$0x4];
	s11 =	stileid.u32;
	s13 =	simm.s32 $0x80  }
0x6: {  	s14 =	simm.s32 $0x8CB0;
	s15 =	simm.s32 $0x1;
	s16 =	simm.s32 $0xD30  }
0x7: {  	s17 =	simm.s32 $0xCCB0;
	s18 =	simm.s32 $0x2;
	s19 =	simm.s32 $0x3  }
0x8: {  	s20 =	simm.s32 $0xDB0;
	s21 =	simm.s32 $0x4;
	s22 =	simm.s32 $0x8C30  }
0x9: {  	s23 =	simm.s32 $0x0;
	s9 =	sand.u32 $0x1, s3;
	s3 =	simm.s32 $0x0  }
0xa: {  	s5 =	sshll.u32 s11, $0x10;
	s31 =	sshll.u32 s11, $0x14;
	p0 =	sne.s32 s11, $0x0  }
0xb: {  	s11 =	simm.s32 $0x5;
	s6 =	sshll.u32 s9, $0xF;
	[smem:$0x7FF] =	sst s3  }
0xc: {  	s7 =	ssub.s32 $0x2, s9;
	s12 =	sshll.u32 s9, $0x13;
	s5 =	sor.u32 s6, s5  }
0xd: {  	_ =	strace $0x80000047;
	s30 =	sshrl.u32 s7, $0x1;
	s10 =	sshrl.u32 s5, $0x3  }
0xe: {  	s6 =	ssub.s32 s7, s30;
	s5 =	sshll.u32 s5, $0x4;
	s4 =	sadd.s32 s4, s10  }
0xf: {  	s5 =	sadd.s32 s8, s5;
	s6 =	smax.u32 s6, $0x1;
	s10 =	sadd.s32 s31, s8  }
0x10: {  	s7 =	sadd.s32 $0x800, s5;
	s8 =	sadd.s32 $0x7F000, s5;
	s10 =	sadd.s32 s12, s10  }
0x11: {  	s9 =	sadd.s32 $0x7F800, s5;
	s12 =	simm.s32 $0xCB0;
	s10 =	sadd.s32 $0x1000, s10  }
.LBB2_1:
.Ltmp0:
0x12: {  	(pc) =	sbr.rel @p0 .LBB2_5-.Ltmp0, $1  }
0x13: {  	_ =	sdelay $0x3  }
0x14: {  	s24 =	simm.s32 $0x0  }
0x15: {  	[tilespmem:s24], [sflag:$0x5] =	stream.linear.gather [hbm4b:s1+s24], $0xB00, $0x38;
	[tilespmem:$0x10CB0] =	vst v63  }
0x16: {  	s25 =	sand.u32 $0x3E00, s24;
	_ =	swait.ge [sflag:s11], $0xB00  }
0x17: {  	s24 =	sand.u32 $0x70, s24;
	s25 =	sshrl.u32 s25, $0x2;
	[sflag:s11] =	ssyncset.done $0x0  }
0x18: {  	s24 =	sor.u32 s24, s25;
	[sflag:s11] =	ssyncadd.s32 $0xFFFFF500  }
0x19: {  	v0 =	vld [tilespmem:s24+$0x0];
	_ =	sdelay $0x3  }
0x1a: {  	s31 =	simm.s32 $0x40  }
0x1b: {  	s26 =	simm.s32 $0x10;
	s28 =	sand.u32 $0x3E00, s31;
	s25 =	simm.s32 $0x80;
	v0 =	vmul.f32 $1.131370830e+01, v0  }
.LBB2_3:
0x1c: {  	p1 =	sne.s32 s25, $0x2BC0;
	s29 =	sand.u32 $0x70, s26;
	s28 =	sshrl.u32 s28, $0x2  }
0x1d: {  	[tilespmem:s24+$0x0] =	vst v0;
	s24 =	sor.u32 s29, s28  }
0x1e: {  	v0 =	vld [tilespmem:s24+$0x0]  }
.Ltmp1:
0x1f: {  	(pc) =	sbr.rel @p1 .LBB2_3-.Ltmp1, $2  }
0x20: {  	_ =	sdelay $0x2  }
0x21: {  	s26 =	sadd.s32 $0x10, s26;
	s28 =	sand.u32 $0x3E00, s25;
	s25 =	sadd.s32 $0x40, s25;
	v0 =	vmul.f32 $1.131370830e+01, v0  }
0x22: {  	s25 =	sand.u32 $0x70, s26;
	s31 =	sshrl.u32 s28, $0x2  }
0x23: {  	s25 =	sor.u32 s25, s31;
	[tilespmem:s24+$0x0] =	vst v0  }
0x24: {  	v0 =	vld [tilespmem:s25+$0x0];
	_ =	sdelay $0x4  }
0x25: {  	v0 =	vmul.f32 $1.131370830e+01, v0;
	_ =	sdelay $0x1  }
0x26: {  	[tilespmem:s25+$0x0] =	vst v0  }
0x27: {  	[spmem:s2] =	stream.linear.scatter [tilespmem:s3], [sflag:$0x5], $0xB00, $0x38;
	[tilespmem:$0x10CB0] =	vst v63  }
0x28: {  	_ =	swait.ge [sflag:s11], $0xB00  }
0x29: {  	[sflag:s11] =	ssyncset.done $0x0  }
0x2a: {  	[sflag:s11] =	ssyncadd.s32 $0xFFFFF500  }
.LBB2_5:
0x2b: {  	[bflag:$0x0] =	sbarrier.arrive $0xFFFF;
	s24 =	simm.s32 $0x0  }
0x2c: {  	[tilespmem:s12], [sflag:$0x5] =	stream.linear.gather [hbm4b:s4+s24], $0x8000, $0x38;
	[tilespmem:$0x10CB0] =	vst v63  }
0x2d: {  	_ =	swait.ge [sflag:s11], $0x8000  }
0x2e: {  	[sflag:s11] =	ssyncset.done $0x0  }
0x2f: {  	[sflag:s11] =	ssyncadd.s32 $0xFFFF8000  }
0x30: {  	[tilespmem:s14], [sflag:$0x1] =	stream.indirect.gather [spmem:s2], $0x80, s12, s13, $0xb8;
	[tilespmem:$0x10CB0] =	vst v63  }
0x31: {  	_ =	swait.ge [sflag:s15], $0x4000  }
0x32: {  	[sflag:s15] =	ssyncset.done $0x0  }
0x33: {  	[sflag:s15] =	ssyncadd.s32 $0xFFFFC000  }
0x34: {  	[tilespmem:s17], [sflag:$0x2] =	stream.indirect.gather [spmem:s2], $0x80, s16, s13, $0xb8;
	[tilespmem:$0x10CB0] =	vst v63  }
0x35: {  	_ = 	snop  }
0x36: {  	[hbm4b:s5+s24] =	stream.linear.scatter [tilespmem:s14], [sflag:$0x3], $0x4000, $0x38;
	[tilespmem:$0x10CB0] =	vst v63  }
0x37: {  	_ =	swait.ge [sflag:s18], $0x4000  }
0x38: {  	[sflag:s18] =	ssyncset.done $0x0  }
0x39: {  	[sflag:s18] =	ssyncadd.s32 $0xFFFFC000  }
0x3a: {  	_ =	swait.ge [sflag:s19], $0x4000  }
0x3b: {  	[sflag:s19] =	ssyncset.done $0x0  }
0x3c: {  	[sflag:s19] =	ssyncadd.s32 $0xFFFFC000  }
0x3d: {  	[tilespmem:s14], [sflag:$0x1] =	stream.indirect.gather [spmem:s2], $0x80, s20, s13, $0xb8;
	[tilespmem:$0x10CB0] =	vst v63  }
0x3e: {  	_ = 	snop  }
0x3f: {  	[hbm4b:s7+s24] =	stream.linear.scatter [tilespmem:s17], [sflag:$0x4], $0x4000, $0x38;
	[tilespmem:$0x10CB0] =	vst v63  }
0x40: {  	_ =	swait.ge [sflag:s15], $0x4000  }
0x41: {  	[sflag:s15] =	ssyncset.done $0x0  }
0x42: {  	[sflag:s15] =	ssyncadd.s32 $0xFFFFC000  }
0x43: {  	_ =	swait.ge [sflag:s21], $0x4000  }
0x44: {  	[sflag:s21] =	ssyncset.done $0x0  }
0x45: {  	s30 =	simm.s32 $0xE30;
	[sflag:s21] =	ssyncadd.s32 $0xFFFFC000  }
0x46: {  	[tilespmem:s17], [sflag:$0x2] =	stream.indirect.gather [spmem:s2], $0x80, s30, s13, $0xb8;
	[tilespmem:$0x10CB0] =	vst v63  }
0x47: {  	_ = 	snop  }
0x48: {  	[hbm4b:s10+s3] =	stream.linear.scatter [tilespmem:s14], [sflag:$0x3], $0x4000, $0x38;
	[tilespmem:$0x10CB0] =	vst v63  }
0x49: {  	_ =	swait.ge [sflag:s18], $0x4000  }
0x4a: {  	[sflag:s18] =	ssyncset.done $0x0  }
0x4b: {  	[sflag:s18] =	ssyncadd.s32 $0xFFFFC000  }
0x4c: {  	_ =	swait.ge [sflag:s19], $0x4000  }
0x4d: {  	s31 =	simm.s32 $0xEB0;
	s26 =	sadd.s32 $0x800, s10;
	[sflag:s19] =	ssyncset.done $0x0  }
0x4e: {  	s25 =	sadd.s32 $0x1000, s10;
	s24 =	simm.s32 $0x400;
	[sflag:s19] =	ssyncadd.s32 $0xFFFFC000  }
0x4f: {  	[tilespmem:s14], [sflag:$0x1] =	stream.indirect.gather [spmem:s2], $0x80, s31, s13, $0xb8;
	[tilespmem:$0x10CB0] =	vst v63  }
.LBB2_6:
0x50: {  	[hbm4b:s26+s3] =	stream.linear.scatter [tilespmem:s17], [sflag:$0x4], $0x4000, $0x38;
	[tilespmem:$0x10CB0] =	vst v63  }
0x51: {  	s26 =	smov.u32 s24  }
0x52: {  	p1 =	sne.s32 s24, $0x1F400;
	s24 =	sadd.s32 $0x400, s24;
	_ =	swait.ge [sflag:s15], $0x4000  }
0x53: {  	[sflag:s15] =	ssyncset.done $0x0  }
0x54: {  	[sflag:s15] =	ssyncadd.s32 $0xFFFFC000  }
0x55: {  	_ =	swait.ge [sflag:s21], $0x4000  }
0x56: {  	s26 =	sshra.s32 s26, $0x2;
	[sflag:s21] =	ssyncset.done $0x0  }
0x57: {  	s28 =	sadd.s32 $0xE30, s26;
	[sflag:s21] =	ssyncadd.s32 $0xFFFFC000  }
0x58: {  	[tilespmem:s17], [sflag:$0x2] =	stream.indirect.gather [spmem:s2], $0x80, s28, s13, $0xb8;
	[tilespmem:$0x10CB0] =	vst v63  }
0x59: {  	_ = 	snop  }
0x5a: {  	[hbm4b:s25+s3] =	stream.linear.scatter [tilespmem:s14], [sflag:$0x3], $0x4000, $0x38;
	[tilespmem:$0x10CB0] =	vst v63  }
0x5b: {  	_ =	swait.ge [sflag:s18], $0x4000  }
0x5c: {  	[sflag:s18] =	ssyncset.done $0x0  }
0x5d: {  	[sflag:s18] =	ssyncadd.s32 $0xFFFFC000  }
.Ltmp2:
0x5e: {  	_ =	swait.ge [sflag:s19], $0x4000;
	(pc) =	sbr.rel @p1 .LBB2_6-.Ltmp2, $4  }
0x5f: {  	[sflag:s19] =	ssyncset.done $0x0  }
0x60: {  	s26 =	sadd.s32 $0xEB0, s26;
	[sflag:s19] =	ssyncadd.s32 $0xFFFFC000  }
0x61: {  	[tilespmem:s14], [sflag:$0x1] =	stream.indirect.gather [spmem:s2], $0x80, s26, s13, $0xb8;
	[tilespmem:$0x10CB0] =	vst v63  }
0x62: {  	s26 =	sadd.s32 $0x800, s25;
	s25 =	sadd.s32 $0x1000, s25  }
0x63: {  	[hbm4b:s26+s3] =	stream.linear.scatter [tilespmem:s17], [sflag:$0x4], $0x4000, $0x38;
	[tilespmem:$0x10CB0] =	vst v63  }
0x64: {  	_ =	swait.ge [sflag:s15], $0x4000  }
0x65: {  	[sflag:s15] =	ssyncset.done $0x0  }
0x66: {  	[sflag:s15] =	ssyncadd.s32 $0xFFFFC000  }
0x67: {  	_ =	swait.ge [sflag:s21], $0x4000  }
0x68: {  	[sflag:s21] =	ssyncset.done $0x0  }
0x69: {  	[sflag:s21] =	ssyncadd.s32 $0xFFFFC000  }
0x6a: {  	[tilespmem:s17], [sflag:$0x2] =	stream.indirect.gather [spmem:s2], $0x80, s22, s13, $0xb8;
	[tilespmem:$0x10CB0] =	vst v63  }
0x6b: {  	_ = 	snop  }
0x6c: {  	[hbm4b:s8+s3] =	stream.linear.scatter [tilespmem:s14], [sflag:$0x3], $0x4000, $0x38;
	[tilespmem:$0x10CB0] =	vst v63  }
0x6d: {  	_ =	swait.ge [sflag:s18], $0x4000  }
0x6e: {  	[sflag:s18] =	ssyncset.done $0x0  }
0x6f: {  	[sflag:s18] =	ssyncadd.s32 $0xFFFFC000  }
0x70: {  	s23 =	sadd.s32 $0x1, s23;
	_ =	swait.ge [sflag:s19], $0x4000  }
0x71: {  	p1 =	sne.s32 s23, s6;
	[sflag:s19] =	ssyncset.done $0x0  }
.Ltmp3:
0x72: {  	[sflag:s19] =	ssyncadd.s32 $0xFFFFC000;
	(pc) =	sbr.rel @p1 .LBB2_1-.Ltmp3, $4  }
0x73: {  	[hbm4b:s9+s3] =	stream.linear.scatter [tilespmem:s17], [sflag:$0x4], $0x4000, $0x38;
	[tilespmem:$0x10CB0] =	vst v63  }
0x74: {  	_ =	swait.ge [sflag:s21], $0x4000  }
0x75: {  	[sflag:s21] =	ssyncset.done $0x0  }
0x76: {  	[sflag:s21] =	ssyncadd.s32 $0xFFFFC000  }
0x77: {  	_ =	sfence.sel $0x180000  }
0x78: {  	[bflag:$0x0] =	sbarrier.arrive $0xFFFF  }
0x79: {  	_ =	strace $0x90000047  }
0x7a: {  	s0 =	sadd.s32 @!p0 $0x100000, s0;
	[bflag:$0x2] =	sbarrier.arrive $0xFFFF  }
0x7b: {  	[sflag:s0] =	ssyncadd.tile.s32 @!p0 $0x1;
	_ =	shalt  }
.Lfunc_end2:
_tile_overlayer_lowered:
.L_overlay_start_2:
0x7c: {  	(tag) =	ssettag $0x2  }
0x7d: {  	s0 =	rddreg [dreg:$0x0];
	s2 =	stileid.u32  }
0x7e: {  	s1 =	rddreg [dreg:$0x1];
	p0 =	sne.s32 s2, $0x0  }
0x7f: {  	s3 =	rddreg [dreg:$0x2];
	[bflag:$0x3] =	sbarrier.arrive $0xFFFF;
	s2 =	simm.s32 @!p0 $0x1C05  }
0x80: {  	[timem:s3], [sflag:s2] =	dma.local @!p0 [hbm:s0], s1  }
0x81: {  	s0 =	simm.s32 @!p0 $0x5  }
0x82: {  	_ =	swait.ge @!p0 [sflag:s0], s1  }
0x83: {  	s1 =	ssub.s32 @!p0 $0x0, s1;
	[sflag:s0] =	ssyncset.done @!p0 $0x0  }
0x84: {  	[sflag:s0] =	ssyncadd.s32 @!p0 s1  }
0x85: {  	[bflag:$0x3] =	sbarrier.arrive $0xFFFF  }
0x86: {  	_ =	shalt  }

</sc_bundles>
